<compile_context>
chip_gen: v7x
topology: tpu7x:2x2x1
jax: 0.10.2.dev20260603
libtpu: 0.0.44.dev20260713+nightly
codegen_flags: <defaults>
</compile_context>

<pallas_src>
import functools

import jax
import jax.numpy as jnp
from jax import lax
from jax.experimental import pallas as pl
from jax.experimental.pallas import tpu as pltpu
from jax.experimental.pallas import tpu_sc as plsc

_NUM_EMB = 1000000
_DIM = 32
_BATCH = 16384

_NC = 2
_NS = 16
_NW = _NC * _NS
_BPW = _BATCH // _NW

_sc_mesh = plsc.VectorSubcoreMesh(core_axis_name="c", subcore_axis_name="s")


@functools.partial(
    pl.kernel,
    mesh=_sc_mesh,
    compiler_params=pltpu.CompilerParams(use_tc_tiling_on_sc=False),
    out_type=[jax.ShapeDtypeStruct((_BATCH, _DIM), jnp.float32)] * 3,
    scratch_types=[
        pltpu.VMEM((_BPW,), jnp.int32),
        pltpu.VMEM((_BPW, _DIM), jnp.float32),
        pltpu.VMEM((_BPW, _DIM), jnp.float32),
        pltpu.VMEM((_BPW, _DIM), jnp.float32),
        pltpu.SemaphoreType.DMA,
        pltpu.SemaphoreType.DMA,
        pltpu.SemaphoreType.DMA,
    ],
)
def _gather3(idx_hbm, tw_hbm, pw_hbm, vw_hbm, out_t, out_p, out_v,
             idx_v, rows_t, rows_p, rows_v, sem_t, sem_p, sem_v):
    wid = lax.axis_index("s") * _NC + lax.axis_index("c")
    base = wid * _BPW
    pltpu.sync_copy(idx_hbm.at[pl.ds(base, _BPW)], idx_v)
    ct = pltpu.async_copy(tw_hbm.at[idx_v], rows_t, sem_t)
    cp = pltpu.async_copy(pw_hbm.at[idx_v], rows_p, sem_p)
    cv = pltpu.async_copy(vw_hbm.at[idx_v], rows_v, sem_v)
    ct.wait()
    pltpu.sync_copy(rows_t, out_t.at[pl.ds(base, _BPW)])
    cp.wait()
    pltpu.sync_copy(rows_p, out_p.at[pl.ds(base, _BPW)])
    cv.wait()
    pltpu.sync_copy(rows_v, out_v.at[pl.ds(base, _BPW)])


def _trig_body(t_ref, p_ref, v_ref, ha_ref, hai_ref, hb_ref, hbi_ref):
    t = t_ref[...]
    p = p_ref[...]
    v = v_ref[...]
    st = jnp.sin(t)
    stsp = st * jnp.sin(p)
    ha_ref[...] = jnp.cos(t)
    hai_ref[...] = st * jnp.cos(p)
    hb_ref[...] = stsp * jnp.cos(v)
    hbi_ref[...] = stsp * jnp.sin(v)


_ROWS2D = _BATCH * _DIM // 128
_TBLK = 512


def _trig(theta, phi, varphi):
    spec = pl.BlockSpec((_TBLK, 128), lambda i: (i, 0))
    out = jax.ShapeDtypeStruct((_ROWS2D, 128), jnp.float32)
    return pl.pallas_call(
        _trig_body,
        grid=(_ROWS2D // _TBLK,),
        in_specs=[spec, spec, spec],
        out_specs=[spec, spec, spec, spec],
        out_shape=[out, out, out, out],
    )(theta, phi, varphi)


@jax.jit
def kernel(h_idx, theta_w, phi_w, varphi_w):
    idx = h_idx.astype(jnp.int32)
    theta, phi, varphi = _gather3(idx, theta_w, phi_w, varphi_w)
    theta = theta.reshape(_ROWS2D, 128)
    phi = phi.reshape(_ROWS2D, 128)
    varphi = varphi.reshape(_ROWS2D, 128)
    ha, hai, hb, hbi = _trig(theta, phi, varphi)
    shape = (_BATCH, _DIM)
    return ((ha.reshape(shape), hai.reshape(shape)),
            (hb.reshape(shape), hbi.reshape(shape)))

# --- scband reference (transcript-rebuilt; emitter-appended) ---
"""Pipeline reference for scband-generated-qubit-embedding-60610578481471 (READ-ONLY COPY).

The authoritative reference and input builder live on the scoring server;
editing this copy changes nothing except your own understanding.
"""

import jax, jax.numpy as jnp
import numpy as np

NUM_EMBEDDINGS = 1000000
EMBEDDING_DIM = 32
BATCH = 16384

def setup_inputs(seed: int = 0) -> dict:
    key = jax.random.key(seed)
    k1, k2, k3, k4 = jax.random.split(key, 4)
    h_idx = jax.random.randint(k1, (BATCH,), 0, NUM_EMBEDDINGS, dtype=jnp.int64 if jax.config.jax_enable_x64 else jnp.int32)
    theta_w = jax.random.normal(k2, (NUM_EMBEDDINGS, EMBEDDING_DIM), dtype=jnp.float32)
    phi_w = jax.random.normal(k3, (NUM_EMBEDDINGS, EMBEDDING_DIM), dtype=jnp.float32)
    varphi_w = jax.random.normal(k4, (NUM_EMBEDDINGS, EMBEDDING_DIM), dtype=jnp.float32)
    return {"h_idx": h_idx, "theta_w": theta_w, "phi_w": phi_w, "varphi_w": varphi_w}

def reference(h_idx, theta_w, phi_w, varphi_w):
    # Embedding lookups (gather rows)
    theta = jnp.take(theta_w, h_idx, axis=0)
    phi = jnp.take(phi_w, h_idx, axis=0)
    varphi = jnp.take(varphi_w, h_idx, axis=0)
    # Qubit-style spherical parameterization
    ha = jnp.cos(theta)
    hai = jnp.sin(theta) * jnp.cos(phi)
    hb = jnp.sin(theta) * jnp.sin(phi) * jnp.cos(varphi)
    hbi = jnp.sin(theta) * jnp.sin(phi) * jnp.sin(varphi)
    return ((ha, hai), (hb, hbi))

if __name__ == "__main__":
    import jax
    _d = setup_inputs()
    print(jax.jit(kernel)(*tuple(_d.values())))

</pallas_src>

<mosaic_0001>
#map = affine_map<(d0, d1) -> (0)>
#map1 = affine_map<(d0, d1) -> (0, 0)>
module attributes {stable_mosaic.version = 14 : i64} {
  func.func @_gather3(%arg0: i32, %arg1: i32, %arg2: memref<16384xi32, #tpu.memory_space<hbm>>, %arg3: memref<1000000x32xf32, #tpu.memory_space<hbm>>, %arg4: memref<1000000x32xf32, #tpu.memory_space<hbm>>, %arg5: memref<1000000x32xf32, #tpu.memory_space<hbm>>, %arg6: memref<16384x32xf32, #tpu.memory_space<hbm>>, %arg7: memref<16384x32xf32, #tpu.memory_space<hbm>>, %arg8: memref<16384x32xf32, #tpu.memory_space<hbm>>, %arg9: memref<512xi32, #tpu.memory_space<vmem>>, %arg10: memref<512x32xf32, #tpu.memory_space<vmem>>, %arg11: memref<512x32xf32, #tpu.memory_space<vmem>>, %arg12: memref<512x32xf32, #tpu.memory_space<vmem>>, %arg13: memref<!tpu.dma_semaphore, #tpu.memory_space<semaphore_mem>>, %arg14: memref<!tpu.dma_semaphore, #tpu.memory_space<semaphore_mem>>, %arg15: memref<!tpu.dma_semaphore, #tpu.memory_space<semaphore_mem>>) attributes {dimension_semantics = [#tpu.dimension_semantics<core_parallel>, #tpu.dimension_semantics<subcore_parallel>], iteration_bounds = array<i64: 2, 16>, scalar_prefetch = 0 : i64, scratch_operands = 7 : i64, tpu.core_type = #tpu.core_type<sc_vector_subcore>, window_params = [{transform_indices = #map}, {transform_indices = #map1}, {transform_indices = #map1}, {transform_indices = #map1}, {transform_indices = #map1}, {transform_indices = #map1}, {transform_indices = #map1}]} {
    %mul3A = arith.constant 2 : i32
    %mul3A_0 = arith.muli %arg1, %mul3A : i32
    %add3A = arith.addi %mul3A_0, %arg0 : i32
    %mul3A_1 = arith.constant 512 : i32
    %mul3A_2 = arith.muli %add3A, %mul3A_1 : i32
    "tpu.region"() ({
      %run_scoped3A = tpu.sem_alloc : memref<!tpu.dma_semaphore, #tpu.memory_space<semaphore_mem>>
      %dma_start3A_19 = tpu.memref_slice %arg2[%mul3A_2] : memref<16384xi32, #tpu.memory_space<hbm>> -> memref<512xi32, #tpu.memory_space<hbm>>
      %dma_start3A_20 = tpu.memref_slice %arg2[%mul3A_2] : memref<16384xi32, #tpu.memory_space<hbm>> -> memref<512xi32, #tpu.memory_space<hbm>>
      tpu.enqueue_dma source(%dma_start3A_20 : memref<512xi32, #tpu.memory_space<hbm>>) target(%arg9 : memref<512xi32, #tpu.memory_space<vmem>>) target_semaphore(%run_scoped3A : memref<!tpu.dma_semaphore, #tpu.memory_space<semaphore_mem>>)
      %dma_wait3A_21 = tpu.memref_slice %arg2[%mul3A_2] : memref<16384xi32, #tpu.memory_space<hbm>> -> memref<512xi32, #tpu.memory_space<hbm>>
      %dma_wait3A_22 = tpu.memref_slice %arg2[%mul3A_2] : memref<16384xi32, #tpu.memory_space<hbm>> -> memref<512xi32, #tpu.memory_space<hbm>>
      tpu.wait_dma2 semaphore(%run_scoped3A : memref<!tpu.dma_semaphore, #tpu.memory_space<semaphore_mem>>) src(%dma_wait3A_22 : memref<512xi32, #tpu.memory_space<hbm>>) dst(%arg9 : memref<512xi32, #tpu.memory_space<vmem>>)
      tpu.yield
    }) : () -> ()
    %dma_start3A = arith.constant 0 : i32
    %dma_start3A_3 = arith.constant 0 : i32
    %dma_start3A_4 = tpu.memref_slice %arg3[%dma_start3A, %dma_start3A_3] : memref<1000000x32xf32, #tpu.memory_space<hbm>> -> memref<1000000x32xf32, #tpu.memory_space<hbm>>
    tpu.enqueue_indirect_dma source(%dma_start3A_4 : memref<1000000x32xf32, #tpu.memory_space<hbm>>) target(%arg10 : memref<512x32xf32, #tpu.memory_space<vmem>>) offsets(%arg9 : memref<512xi32, #tpu.memory_space<vmem>>) semaphore(%arg13 : memref<!tpu.dma_semaphore, #tpu.memory_space<semaphore_mem>>)
    %dma_start3A_5 = arith.constant 0 : i32
    %dma_start3A_6 = arith.constant 0 : i32
    %dma_start3A_7 = tpu.memref_slice %arg4[%dma_start3A_5, %dma_start3A_6] : memref<1000000x32xf32, #tpu.memory_space<hbm>> -> memref<1000000x32xf32, #tpu.memory_space<hbm>>
    tpu.enqueue_indirect_dma source(%dma_start3A_7 : memref<1000000x32xf32, #tpu.memory_space<hbm>>) target(%arg11 : memref<512x32xf32, #tpu.memory_space<vmem>>) offsets(%arg9 : memref<512xi32, #tpu.memory_space<vmem>>) semaphore(%arg14 : memref<!tpu.dma_semaphore, #tpu.memory_space<semaphore_mem>>)
    %dma_start3A_8 = arith.constant 0 : i32
    %dma_start3A_9 = arith.constant 0 : i32
    %dma_start3A_10 = tpu.memref_slice %arg5[%dma_start3A_8, %dma_start3A_9] : memref<1000000x32xf32, #tpu.memory_space<hbm>> -> memref<1000000x32xf32, #tpu.memory_space<hbm>>
    tpu.enqueue_indirect_dma source(%dma_start3A_10 : memref<1000000x32xf32, #tpu.memory_space<hbm>>) target(%arg12 : memref<512x32xf32, #tpu.memory_space<vmem>>) offsets(%arg9 : memref<512xi32, #tpu.memory_space<vmem>>) semaphore(%arg15 : memref<!tpu.dma_semaphore, #tpu.memory_space<semaphore_mem>>)
    %dma_wait3A = arith.constant 0 : i32
    %dma_wait3A_11 = arith.constant 0 : i32
    %dma_wait3A_12 = tpu.memref_slice %arg3[%dma_wait3A, %dma_wait3A_11] : memref<1000000x32xf32, #tpu.memory_space<hbm>> -> memref<1000000x32xf32, #tpu.memory_space<hbm>>
    tpu.wait_indirect_dma semaphore(%arg13 : memref<!tpu.dma_semaphore, #tpu.memory_space<semaphore_mem>>) src(%dma_wait3A_12 : memref<1000000x32xf32, #tpu.memory_space<hbm>>) dst(%arg10 : memref<512x32xf32, #tpu.memory_space<vmem>>)
    "tpu.region"() ({
      %run_scoped3A = tpu.sem_alloc : memref<!tpu.dma_semaphore, #tpu.memory_space<semaphore_mem>>
      %dma_start3A_19 = arith.constant 0 : i32
      %dma_start3A_20 = tpu.memref_slice %arg6[%mul3A_2, %dma_start3A_19] : memref<16384x32xf32, #tpu.memory_space<hbm>> -> memref<512x32xf32, #tpu.memory_space<hbm>>
      %dma_start3A_21 = arith.constant 0 : i32
      %dma_start3A_22 = tpu.memref_slice %arg6[%mul3A_2, %dma_start3A_21] : memref<16384x32xf32, #tpu.memory_space<hbm>> -> memref<512x32xf32, #tpu.memory_space<hbm>>
      tpu.enqueue_dma source(%arg10 : memref<512x32xf32, #tpu.memory_space<vmem>>) target(%dma_start3A_22 : memref<512x32xf32, #tpu.memory_space<hbm>>) target_semaphore(%run_scoped3A : memref<!tpu.dma_semaphore, #tpu.memory_space<semaphore_mem>>)
      %dma_wait3A_23 = arith.constant 0 : i32
      %dma_wait3A_24 = tpu.memref_slice %arg6[%mul3A_2, %dma_wait3A_23] : memref<16384x32xf32, #tpu.memory_space<hbm>> -> memref<512x32xf32, #tpu.memory_space<hbm>>
      %dma_wait3A_25 = arith.constant 0 : i32
      %dma_wait3A_26 = tpu.memref_slice %arg6[%mul3A_2, %dma_wait3A_25] : memref<16384x32xf32, #tpu.memory_space<hbm>> -> memref<512x32xf32, #tpu.memory_space<hbm>>
      tpu.wait_dma2 semaphore(%run_scoped3A : memref<!tpu.dma_semaphore, #tpu.memory_space<semaphore_mem>>) src(%arg10 : memref<512x32xf32, #tpu.memory_space<vmem>>) dst(%dma_wait3A_26 : memref<512x32xf32, #tpu.memory_space<hbm>>)
      tpu.yield
    }) : () -> ()
    %dma_wait3A_13 = arith.constant 0 : i32
    %dma_wait3A_14 = arith.constant 0 : i32
    %dma_wait3A_15 = tpu.memref_slice %arg4[%dma_wait3A_13, %dma_wait3A_14] : memref<1000000x32xf32, #tpu.memory_space<hbm>> -> memref<1000000x32xf32, #tpu.memory_space<hbm>>
    tpu.wait_indirect_dma semaphore(%arg14 : memref<!tpu.dma_semaphore, #tpu.memory_space<semaphore_mem>>) src(%dma_wait3A_15 : memref<1000000x32xf32, #tpu.memory_space<hbm>>) dst(%arg11 : memref<512x32xf32, #tpu.memory_space<vmem>>)
    "tpu.region"() ({
      %run_scoped3A = tpu.sem_alloc : memref<!tpu.dma_semaphore, #tpu.memory_space<semaphore_mem>>
      %dma_start3A_19 = arith.constant 0 : i32
      %dma_start3A_20 = tpu.memref_slice %arg7[%mul3A_2, %dma_start3A_19] : memref<16384x32xf32, #tpu.memory_space<hbm>> -> memref<512x32xf32, #tpu.memory_space<hbm>>
      %dma_start3A_21 = arith.constant 0 : i32
      %dma_start3A_22 = tpu.memref_slice %arg7[%mul3A_2, %dma_start3A_21] : memref<16384x32xf32, #tpu.memory_space<hbm>> -> memref<512x32xf32, #tpu.memory_space<hbm>>
      tpu.enqueue_dma source(%arg11 : memref<512x32xf32, #tpu.memory_space<vmem>>) target(%dma_start3A_22 : memref<512x32xf32, #tpu.memory_space<hbm>>) target_semaphore(%run_scoped3A : memref<!tpu.dma_semaphore, #tpu.memory_space<semaphore_mem>>)
      %dma_wait3A_23 = arith.constant 0 : i32
      %dma_wait3A_24 = tpu.memref_slice %arg7[%mul3A_2, %dma_wait3A_23] : memref<16384x32xf32, #tpu.memory_space<hbm>> -> memref<512x32xf32, #tpu.memory_space<hbm>>
      %dma_wait3A_25 = arith.constant 0 : i32
      %dma_wait3A_26 = tpu.memref_slice %arg7[%mul3A_2, %dma_wait3A_25] : memref<16384x32xf32, #tpu.memory_space<hbm>> -> memref<512x32xf32, #tpu.memory_space<hbm>>
      tpu.wait_dma2 semaphore(%run_scoped3A : memref<!tpu.dma_semaphore, #tpu.memory_space<semaphore_mem>>) src(%arg11 : memref<512x32xf32, #tpu.memory_space<vmem>>) dst(%dma_wait3A_26 : memref<512x32xf32, #tpu.memory_space<hbm>>)
      tpu.yield
    }) : () -> ()
    %dma_wait3A_16 = arith.constant 0 : i32
    %dma_wait3A_17 = arith.constant 0 : i32
    %dma_wait3A_18 = tpu.memref_slice %arg5[%dma_wait3A_16, %dma_wait3A_17] : memref<1000000x32xf32, #tpu.memory_space<hbm>> -> memref<1000000x32xf32, #tpu.memory_space<hbm>>
    tpu.wait_indirect_dma semaphore(%arg15 : memref<!tpu.dma_semaphore, #tpu.memory_space<semaphore_mem>>) src(%dma_wait3A_18 : memref<1000000x32xf32, #tpu.memory_space<hbm>>) dst(%arg12 : memref<512x32xf32, #tpu.memory_space<vmem>>)
    "tpu.region"() ({
      %run_scoped3A = tpu.sem_alloc : memref<!tpu.dma_semaphore, #tpu.memory_space<semaphore_mem>>
      %dma_start3A_19 = arith.constant 0 : i32
      %dma_start3A_20 = tpu.memref_slice %arg8[%mul3A_2, %dma_start3A_19] : memref<16384x32xf32, #tpu.memory_space<hbm>> -> memref<512x32xf32, #tpu.memory_space<hbm>>
      %dma_start3A_21 = arith.constant 0 : i32
      %dma_start3A_22 = tpu.memref_slice %arg8[%mul3A_2, %dma_start3A_21] : memref<16384x32xf32, #tpu.memory_space<hbm>> -> memref<512x32xf32, #tpu.memory_space<hbm>>
      tpu.enqueue_dma source(%arg12 : memref<512x32xf32, #tpu.memory_space<vmem>>) target(%dma_start3A_22 : memref<512x32xf32, #tpu.memory_space<hbm>>) target_semaphore(%run_scoped3A : memref<!tpu.dma_semaphore, #tpu.memory_space<semaphore_mem>>)
      %dma_wait3A_23 = arith.constant 0 : i32
      %dma_wait3A_24 = tpu.memref_slice %arg8[%mul3A_2, %dma_wait3A_23] : memref<16384x32xf32, #tpu.memory_space<hbm>> -> memref<512x32xf32, #tpu.memory_space<hbm>>
      %dma_wait3A_25 = arith.constant 0 : i32
      %dma_wait3A_26 = tpu.memref_slice %arg8[%mul3A_2, %dma_wait3A_25] : memref<16384x32xf32, #tpu.memory_space<hbm>> -> memref<512x32xf32, #tpu.memory_space<hbm>>
      tpu.wait_dma2 semaphore(%run_scoped3A : memref<!tpu.dma_semaphore, #tpu.memory_space<semaphore_mem>>) src(%arg12 : memref<512x32xf32, #tpu.memory_space<vmem>>) dst(%dma_wait3A_26 : memref<512x32xf32, #tpu.memory_space<hbm>>)
      tpu.yield
    }) : () -> ()
    return
  }
}

module attributes {stable_mosaic.version = 14 : i64} {
  func.func @_trig_body(%arg0: i32, %arg1: memref<512x128xf32, #tpu.memory_space<vmem>>, %arg2: memref<512x128xf32, #tpu.memory_space<vmem>>, %arg3: memref<512x128xf32, #tpu.memory_space<vmem>>, %arg4: memref<512x128xf32, #tpu.memory_space<vmem>>, %arg5: memref<512x128xf32, #tpu.memory_space<vmem>>, %arg6: memref<512x128xf32, #tpu.memory_space<vmem>>, %arg7: memref<512x128xf32, #tpu.memory_space<vmem>>) attributes {dimension_semantics = [#tpu.dimension_semantics<arbitrary>], iteration_bounds = array<i64: 8>, scalar_prefetch = 0 : i64, scratch_operands = 0 : i64, tpu.core_type = #tpu.core_type<tc>, window_params = [{transform_indices = @transform_0, window_bounds = array<i64: 512, 128>}, {transform_indices = @transform_1, window_bounds = array<i64: 512, 128>}, {transform_indices = @transform_2, window_bounds = array<i64: 512, 128>}, {transform_indices = @transform_3, window_bounds = array<i64: 512, 128>}, {transform_indices = @transform_4, window_bounds = array<i64: 512, 128>}, {transform_indices = @transform_5, window_bounds = array<i64: 512, 128>}, {transform_indices = @transform_6, window_bounds = array<i64: 512, 128>}]} {
    %get3A = arith.constant 0 : index
    %get3A_0 = arith.constant 0 : index
    %get3A_1 = vector.load %arg1[%get3A, %get3A_0] : memref<512x128xf32, #tpu.memory_space<vmem>>, vector<512x128xf32>
    %get3A_2 = arith.constant 0 : index
    %get3A_3 = arith.constant 0 : index
    %get3A_4 = vector.load %arg2[%get3A_2, %get3A_3] : memref<512x128xf32, #tpu.memory_space<vmem>>, vector<512x128xf32>
    %get3A_5 = arith.constant 0 : index
    %get3A_6 = arith.constant 0 : index
    %get3A_7 = vector.load %arg3[%get3A_5, %get3A_6] : memref<512x128xf32, #tpu.memory_space<vmem>>, vector<512x128xf32>
    %sin3A = math.sin %get3A_1 : vector<512x128xf32>
    %sin3A_8 = math.sin %get3A_4 : vector<512x128xf32>
    %mul3A = arith.mulf %sin3A, %sin3A_8 : vector<512x128xf32>
    %cos3A = math.cos %get3A_1 : vector<512x128xf32>
    %swap3A = arith.constant 0 : index
    %swap3A_9 = arith.constant 0 : index
    %swap3A_10 = vector.load %arg4[%swap3A, %swap3A_9] : memref<512x128xf32, #tpu.memory_space<vmem>>, vector<512x128xf32>
    tpu.vector_store %arg4[%swap3A, %swap3A_9], %cos3A {strides = array<i32>} : memref<512x128xf32, #tpu.memory_space<vmem>>, vector<512x128xf32>,
    %cos3A_11 = math.cos %get3A_4 : vector<512x128xf32>
    %mul3A_12 = arith.mulf %sin3A, %cos3A_11 : vector<512x128xf32>
    %swap3A_13 = arith.constant 0 : index
    %swap3A_14 = arith.constant 0 : index
    %swap3A_15 = vector.load %arg5[%swap3A_13, %swap3A_14] : memref<512x128xf32, #tpu.memory_space<vmem>>, vector<512x128xf32>
    tpu.vector_store %arg5[%swap3A_13, %swap3A_14], %mul3A_12 {strides = array<i32>} : memref<512x128xf32, #tpu.memory_space<vmem>>, vector<512x128xf32>,
    %cos3A_16 = math.cos %get3A_7 : vector<512x128xf32>
    %mul3A_17 = arith.mulf %mul3A, %cos3A_16 : vector<512x128xf32>
    %swap3A_18 = arith.constant 0 : index
    %swap3A_19 = arith.constant 0 : index
    %swap3A_20 = vector.load %arg6[%swap3A_18, %swap3A_19] : memref<512x128xf32, #tpu.memory_space<vmem>>, vector<512x128xf32>
    tpu.vector_store %arg6[%swap3A_18, %swap3A_19], %mul3A_17 {strides = array<i32>} : memref<512x128xf32, #tpu.memory_space<vmem>>, vector<512x128xf32>,
    %sin3A_21 = math.sin %get3A_7 : vector<512x128xf32>
    %mul3A_22 = arith.mulf %mul3A, %sin3A_21 : vector<512x128xf32>
    %swap3A_23 = arith.constant 0 : index
    %swap3A_24 = arith.constant 0 : index
    %swap3A_25 = vector.load %arg7[%swap3A_23, %swap3A_24] : memref<512x128xf32, #tpu.memory_space<vmem>>, vector<512x128xf32>
    tpu.vector_store %arg7[%swap3A_23, %swap3A_24], %mul3A_22 {strides = array<i32>} : memref<512x128xf32, #tpu.memory_space<vmem>>, vector<512x128xf32>,
    return
  }
  func.func @transform_0(%arg0: i32) -> (i32, i32) {
    %c0_i32 = arith.constant 0 : i32
    %c0_i32_0 = arith.constant 0 : i32
    return %arg0, %c0_i32 : i32, i32
  }
  func.func @transform_1(%arg0: i32) -> (i32, i32) {
    %c0_i32 = arith.constant 0 : i32
    %c0_i32_0 = arith.constant 0 : i32
    return %arg0, %c0_i32 : i32, i32
  }
  func.func @transform_2(%arg0: i32) -> (i32, i32) {
    %c0_i32 = arith.constant 0 : i32
    %c0_i32_0 = arith.constant 0 : i32
    return %arg0, %c0_i32 : i32, i32
  }
  func.func @transform_3(%arg0: i32) -> (i32, i32) {
    %c0_i32 = arith.constant 0 : i32
    %c0_i32_0 = arith.constant 0 : i32
    return %arg0, %c0_i32 : i32, i32
  }
  func.func @transform_4(%arg0: i32) -> (i32, i32) {
    %c0_i32 = arith.constant 0 : i32
    %c0_i32_0 = arith.constant 0 : i32
    return %arg0, %c0_i32 : i32, i32
  }
  func.func @transform_5(%arg0: i32) -> (i32, i32) {
    %c0_i32 = arith.constant 0 : i32
    %c0_i32_0 = arith.constant 0 : i32
    return %arg0, %c0_i32 : i32, i32
  }
  func.func @transform_6(%arg0: i32) -> (i32, i32) {
    %c0_i32 = arith.constant 0 : i32
    %c0_i32_0 = arith.constant 0 : i32
    return %arg0, %c0_i32 : i32, i32
  }
}

</mosaic_0001>

<sc_bundles>
// kernel: kernel.4.cloned.1.call-start
scs
__scs_entry_jumppad:
0x0: {  	(pc) =	sbr.rel $0x88, $3  }
0x1: {  	(tag) =	ssettag $0x0;
	lr =	simm.s32 $0x1  }
0x2: {  	[smem:$0x3F9D] =	sst lr;
	_ =	strace $0xD0000000  }
0x3: {  	_ = 	snop  }
0x4: {  	_ = 	snop  }
0x5: {  	_ = 	snop  }
0x6: {  	_ = 	snop  }
0x7: {  	_ = 	snop  }
__scs_overlays_trampoline_lowered:
0x8: {  	[smem:$0x3FAC] =	sst s0  }
0x9: {  	[smem:$0x3FAD] =	sst s1  }
0xa: {  	[smem:$0x3FAE] =	sst s2  }
0xb: {  	[smem:$0x3FAF] =	sst s3  }
0xc: {  	[smem:$0x3FB0] =	sst s4  }
0xd: {  	[smem:$0x3FB1] =	sst s5  }
0xe: {  	[smem:$0x3FB2] =	sst s6  }
0xf: {  	[smem:$0x3FB3] =	sst s7  }
0x10: {  	[smem:$0x3FB4] =	sst s8  }
0x11: {  	[smem:$0x3FB5] =	sst s9;
	s0 =	simm.s32 @!p0 $0x0  }
0x12: {  	s1 =	sld [smem:$0x3F9B];
	s0 =	simm.s32 @p0 $0x1  }
0x13: {  	[smem:$0x3FB6] =	sst s0;
	s0 =	simm.s32 @!p1 $0x0  }
0x14: {  	s2 =	sld [smem:$0x3F9A];
	s0 =	simm.s32 @p1 $0x1  }
0x15: {  	[smem:$0x3FB7] =	sst s0;
	s0 =	simm.s32 @!p2 $0x0  }
0x16: {  	s3 =	sld [smem:$0x3FDB];
	s0 =	simm.s32 @p2 $0x1  }
0x17: {  	s4 =	simm.s32 $0x1BF5;
	[smem:$0x3FB9] =	sst s0  }
0x18: {  	s0 =	sld [smem:$0x3F9C];
	_ =	swait.ge [sflag:s4], $0x0  }
0x19: {  	s7 =	sld [smem:$0x3F9D]  }
0x1a: {  	s8 =	sadd.s32 $0xFFFFE003, lr  }
0x1b: {  	s9 =	sadd.s32 $0xFFFFFEF7, lr;
	s5 =	simm.s32 $0xFFFFFFFF;
	p2 =	slt.u32 s8, $0xFFFFF086  }
0x1c: {  	p1 =	slt.u32 s9, $0xF7A;
	s5 =	simm.s32 @!p2 $0x0  }
0x1d: {  	s5 =	simm.s32 @p1 $0x1;
	p0 =	seq.s32 s7, s2  }
0x1e: {  	s7 =	smul.u32 @!p0 $0xF7A, s2;
	p2 =	seq.s32 @!p0 s5, $0x0  }
0x1f: {  	s9 =	smul.u32 $0xF7A, s1;
	s8 =	simm.s32 @!p0 $0x1BF5;
	p2 =	por !p2, p0  }
0x20: {  	[sflag:s8] =	ssyncset.s32 @!p0 $0xFFFFF086;
	s6 =	sadd.s32 @!p0 s3, s7;
	s7 =	simm.s32 @!p0 $0x108  }
0x21: {  	s3 =	sadd.s32 s3, s9;
	s6 =	sadd.s32 @!p0 $0x88, s6;
	s7 =	simm.s32 @p2 $0x1082  }
0x22: {  	[simem:s7], [sflag:s8] =	dma.local @!p0 [hbm:s6], $0xF7A  }
0x23: {  	s9 =	sor.u32 $0xD0000000, s2;
	s6 =	simm.s32 $0x108;
	_ =	swait.ge @!p0 [sflag:s8], $0x0  }
0x24: {  	s3 =	sadd.s32 $0x88, s3;
	s6 =	simm.s32 @!p1 $0x1082;
	[sflag:s4] =	ssyncset.s32 $0xFFFFF086  }
0x25: {  	[simem:s6], [sflag:s4] =	dma.local [hbm:s3], $0xF7A  }
0x26: {  	[smem:$0x3F9D] =	sst s1;
	(tag) =	ssettag s2;
	_ =	strace s9  }
0x27: {  	s1 =	sld [smem:$0x3FAD]  }
0x28: {  	s2 =	sld [smem:$0x3FAE]  }
0x29: {  	s4 =	sld [smem:$0x3FB0]  }
0x2a: {  	p0 =	seq.s32 s5, $0x0;
	s5 =	sld [smem:$0x3FB1]  }
0x2b: {  	s6 =	sld [smem:$0x3FB2]  }
0x2c: {  	s7 =	sld [smem:$0x3FB3]  }
0x2d: {  	s3 =	simm.s32 $0x108;
	s8 =	sld [smem:$0x3FB4]  }
0x2e: {  	s3 =	simm.s32 @!p0 $0x1082;
	s9 =	sld [smem:$0x3FB5]  }
0x2f: {  	lr =	sadd.s32 s0, s3;
	s0 =	sld [smem:$0x3FAC]  }
0x30: {  	s3 =	sld [smem:$0x3FAF]  }
0x31: {  	[smem:$0x3FB8] =	sst s10  }
0x32: {  	s10 =	sld [smem:$0x3FB6];
	_ =	sdelay $0x3  }
0x33: {  	p0 =	seq.s32 s10, $0x1;
	s10 =	sld [smem:$0x3FB8];
	_ =	sdelay $0x3  }
0x34: {  	[smem:$0x3FB8] =	sst s10  }
0x35: {  	s10 =	sld [smem:$0x3FB7];
	_ =	sdelay $0x3  }
0x36: {  	p1 =	seq.s32 s10, $0x1;
	s10 =	sld [smem:$0x3FB8];
	_ =	sdelay $0x3  }
0x37: {  	[smem:$0x3FB8] =	sst s10  }
0x38: {  	s10 =	sld [smem:$0x3FB9]  }
0x39: {  	_ = 	snop;
	(pc) =	sbr.ind lr, $3  }
0x3a: {  	_ = 	snop  }
0x3b: {  	_ = 	snop  }
0x3c: {  	p2 =	seq.s32 s10, $0x1;
	s10 =	sld [smem:$0x3FB8]  }
0x3d: {  	_ =	shalt  }
0x3e: {  	_ =	shalt  }
0x3f: {  	_ =	shalt  }
0x40: {  	_ =	shalt  }
0x41: {  	_ =	shalt  }
0x42: {  	_ =	shalt  }
0x43: {  	_ =	shalt  }
0x44: {  	_ =	shalt  }
0x45: {  	_ =	shalt  }
0x46: {  	_ =	shalt  }
0x47: {  	_ =	shalt  }
0x48: {  	_ =	shalt  }
0x49: {  	_ =	shalt  }
0x4a: {  	_ =	shalt  }
0x4b: {  	_ =	shalt  }
0x4c: {  	_ =	shalt  }
0x4d: {  	_ =	shalt  }
0x4e: {  	_ =	shalt  }
0x4f: {  	_ =	shalt  }
0x50: {  	_ =	shalt  }
0x51: {  	_ =	shalt  }
0x52: {  	_ =	shalt  }
0x53: {  	_ =	shalt  }
0x54: {  	_ =	shalt  }
0x55: {  	_ =	shalt  }
0x56: {  	_ =	shalt  }
0x57: {  	_ =	shalt  }
0x58: {  	_ =	shalt  }
0x59: {  	_ =	shalt  }
0x5a: {  	_ =	shalt  }
0x5b: {  	_ =	shalt  }
0x5c: {  	_ =	shalt  }
0x5d: {  	_ =	shalt  }
0x5e: {  	_ =	shalt  }
0x5f: {  	_ =	shalt  }
0x60: {  	_ =	shalt  }
0x61: {  	_ =	shalt  }
0x62: {  	_ =	shalt  }
0x63: {  	_ =	shalt  }
0x64: {  	_ =	shalt  }
0x65: {  	_ =	shalt  }
0x66: {  	_ =	shalt  }
0x67: {  	_ =	shalt  }
0x68: {  	_ =	shalt  }
0x69: {  	_ =	shalt  }
0x6a: {  	_ =	shalt  }
0x6b: {  	_ =	shalt  }
0x6c: {  	_ =	shalt  }
0x6d: {  	_ =	shalt  }
0x6e: {  	_ =	shalt  }
0x6f: {  	_ =	shalt  }
0x70: {  	_ =	shalt  }
0x71: {  	_ =	shalt  }
0x72: {  	_ =	shalt  }
0x73: {  	_ =	shalt  }
0x74: {  	_ =	shalt  }
0x75: {  	_ =	shalt  }
0x76: {  	_ =	shalt  }
0x77: {  	_ =	shalt  }
0x78: {  	_ =	shalt  }
0x79: {  	_ =	shalt  }
0x7a: {  	_ =	shalt  }
0x7b: {  	_ =	shalt  }
0x7c: {  	_ =	shalt  }
0x7d: {  	_ =	shalt  }
0x7e: {  	_ =	shalt  }
0x7f: {  	_ =	shalt  }
0x80: {  	_ =	shalt  }
0x81: {  	_ =	shalt  }
0x82: {  	_ =	shalt  }
0x83: {  	_ =	shalt  }
0x84: {  	_ =	shalt  }
0x85: {  	_ =	shalt  }
0x86: {  	_ =	shalt  }
0x87: {  	_ =	shalt  }
.Lfunc_end0:
.L_simem_size_0:
called_computation_lowered:
.L_overlay_start_0:
0x88: {  	s2 =	sld [smem:$0x3FD9]  }
0x89: {  	s3 =	sld [smem:$0x3FFE];
	_ =	sdelay $0x1  }
0x8a: {  	s1 =	srdreg.scid  }
0x8b: {  	s0 =	sand.u32 $0x1, s1  }
0x8c: {  	s14 =	sshll.u32 s0, $0xA;
	s2 =	sadd.s32 s3, s2  }
0x8d: {  	s2 =	sadd.s32 s2, s14  }
0x8e: {  	[smem:$0x3FC4] =	sst s2  }
0x8f: {  	_ = 	snop  }
0x90: {  	s2 =	sld [smem:$0x3FD0];
	_ =	sdelay $0x2  }
0x91: {  	s4 =	simm.s32 $0xA;
	s5 =	simm.s32 $0x10;
	s15 =	sld [smem:$0x3FC9]  }
0x92: {  	[smem:s5], [sflag:s4] =	dma.local [hbm:s2], $0x1  }
0x93: {  	_ =	swait.eq [sflag:s4], $0x1  }
0x94: {  	s16 =	sld [smem:$0x11];
	[sflag:s4] =	ssyncset.done $0x0  }
0x95: {  	s17 =	sld [smem:$0x12];
	[sflag:s4] =	ssyncadd.s32 $0xFFFFFFFF  }
0x96: {  	s18 =	sld [smem:$0x13];
	(tm) =	ssettm $0x1  }
0x97: {  	s6 =	sld [smem:$0x3FFB];
	_ =	sdelay $0x3  }
0x98: {  	_ =	strace s6  }
0x99: {  	s6 =	sld [smem:$0x3FFC];
	_ =	sdelay $0x3  }
0x9a: {  	_ =	strace s6  }
0x9b: {  	s6 =	sld [smem:$0x3FFD];
	_ =	sdelay $0x3  }
0x9c: {  	_ =	strace s6  }
0x9d: {  	_ =	strace $0x8FFFFFFF  }
0x9e: {  	s19 =	sld [smem:$0x3FDB];
	_ =	sdelay $0x1  }
0x9f: {  	s7 =	simm.s32 $_scs_section_size  }
0xa0: {  	s8 =	simm.s32 $_size__tile_overlayer_lowered;
	s9 =	simm.s32 $_tile_overlayer_lowered  }
0xa1: {  	s22 =	simm.s32 $0x1BFF;
	s21 =	sshll.u32 s9, $0x1;
	s6 =	sadd.s32 s7, s19  }
0xa2: {  	s10 =	simm.s32 $0x0;
	s20 =	sshll.u32 s8, $0x1;
	s8 =	sadd.s32 s21, s6  }
0xa3: {  	[timem:s10], [sflag:s22] =	dma.local [hbm:s8], s20  }
0xa4: {  	_ =	swait.ge [sflag:s22], s20  }
0xa5: {  	s7 =	ssub.s32 $0x0, s20;
	[sflag:s22] =	ssyncset.done $0x0  }
0xa6: {  	[sflag:s22] =	ssyncadd.s32 s7;
	_ =	sdelay $0x1  }
0xa7: {  	s23 =	simm.s32 $0x1B8B  }
0xa8: {  	_ =	swait.ge [sflag:s23], $0x1  }
0xa9: {  	[sflag:s23] =	ssyncset.done $0x0  }
0xaa: {  	s25 =	simm.s32 $0x1B8E;
	s24 =	sld [smem:$0x3FFE];
	[sflag:s23] =	ssyncadd.s32 $0xFFFFFFFF  }
0xab: {  	s26 =	simm.s32 $execute0_lowered;
	[smem:$0x3FD2] =	sst s25  }
0xac: {  	s8 =	sshll.u32 s26, $0x1;
	_ =	strace $0x80000046;
	[dreg:$0x1] =	wrdreg $0xFFFFFFFF  }
0xad: {  	s28 =	simm.s32 $_size_execute0_lowered;
	s6 =	sadd.s32 s6, s8;
	[dreg:$0x0] =	wrdreg $0x0  }
0xae: {  	s8 =	sshll.u32 s28, $0x1;
	[dreg:$0x2] =	wrdreg s6  }
0xaf: {  	[dreg:$0x3] =	wrdreg s8  }
0xb0: {  	[dreg:$0x4] =	wrdreg $0xC0  }
0xb1: {  	_ =	task [dreg:s10], $0x5FFFF  }
0xb2: {  	[dreg:$0x1] =	wrdreg $0xFFFFFFFF  }
0xb3: {  	[dreg:$0x0] =	wrdreg $0x60  }
0xb4: {  	[dreg:$0x2] =	wrdreg s15  }
0xb5: {  	[dreg:$0x3] =	wrdreg s24  }
0xb6: {  	[dreg:$0x4] =	wrdreg s18  }
0xb7: {  	[dreg:$0x5] =	wrdreg s17  }
0xb8: {  	[dreg:$0x6] =	wrdreg s16  }
0xb9: {  	[dreg:$0x7] =	wrdreg $0x9  }
0xba: {  	_ =	task.clear_ibuf [dreg:s10], $0x8FFFF;
	_ =	strace $0x90000046  }
0xbb: {  	s29 =	simm.s32 $0x9;
	_ =	strace $0x80000048  }
0xbc: {  	_ =	swait.ge [sflag:s29], $0x1  }
0xbd: {  	[sflag:s29] =	ssyncadd.s32 $0xFFFFFFFF  }
0xbe: {  	_ =	strace $0x90000048  }
0xbf: {  	_ =	sfence  }
0xc0: {  	s30 =	sld [smem:$0x0];
	_ =	sdelay $0x2  }
0xc1: {  	s31 =	sshll.u32 s1, $0xD;
	s1 =	sshrl.u32 s1, $0x2  }
0xc2: {  	s3 =	sand.u32 $0x4000, s31;
	s1 =	sadd.s32 s1, s30  }
0xc3: {  	s0 =	sor.u32 s3, s0;
	s1 =	sshll.u32 s1, $0x11  }
0xc4: {  	s0 =	sor.u32 s1, s0  }
0xc5: {  	s0 =	sadd.s32 $0x8F2B, s0  }
0xc6: {  	[sflag:s0] =	ssyncadd.remote.s32 $0x1  }
0xc7: {  	_ =	sfence.sel $0xFFFF  }
0xc8: {  	[dreg:$0x0] =	wrdreg $0xFFFFFFFF;
	(pc) =	sbr.abs _section_cstart, $3  }
0xc9: {  	[dreg:$0x1] =	wrdreg $0xFFFFFFFF  }
0xca: {  	_ =	task.clear_ibuf [dreg:s10], $0x2FFFF;
	_ =	strace $0x9FFFFFFF  }
0xcb: {  	(tm) =	ssettm $0x7FFFFFFF  }
tec
execute0_lowered:
.L_overlay_start_1:
0x0: {  	(tag) =	ssettag $0x1  }
0x1: {  	s3 =	rddreg [dreg:$0x0]  }
0x2: {  	s9 =	rddreg [dreg:$0x1]  }
0x3: {  	s12 =	rddreg [dreg:$0x2];
	s1 =	srdreg.scid  }
0x4: {  	s14 =	rddreg [dreg:$0x3];
	s0 =	stileid.u32;
	s15 =	sand.u32 $0x1, s1  }
0x5: {  	s16 =	rddreg [dreg:$0x4];
	s4 =	sshll.u32 s0, $0xA;
	s5 =	sshll.u32 s15, $0x9  }
0x6: {  	s2 =	simm.s32 $0x0;
	s1 =	rddreg [dreg:$0x5];
	s13 =	sor.u32 s5, s4  }
0x7: {  	[smem:$0x7FF] =	sst s2;
	s4 =	sshrl.u32 s13, $0x3  }
0x8: {  	_ =	strace $0x80000047;
	s4 =	sadd.s32 s3, s4;
	s3 =	simm.s32 $0x4  }
0x9: {  	[tilespmem:s2], [sflag:$0x4] =	stream.linear.gather [hbm4b:s4+s2], $0x200, $0x38;
	[tilespmem:$0xC200] =	vst v63  }
0xa: {  	_ =	swait.ge [sflag:s3], $0x200  }
0xb: {  	[sflag:s3] =	ssyncset.done $0x0  }
0xc: {  	s6 =	simm.s32 $0x200;
	s5 =	sadd.s32 $0xF43400, s9;
	[sflag:s3] =	ssyncadd.s32 $0xFFFFFE00  }
0xd: {  	[tilespmem:s6], [sflag:$0x1] =	stream.indirect.gather [hbm4b:s5+s6], $0x20, s2, s6, $0xb8;
	[tilespmem:$0xC200] =	vst v63  }
0xe: {  	s8 =	simm.s32 $0x4200;
	s7 =	sadd.s32 $0x1313E00, s9  }
0xf: {  	[tilespmem:s8], [sflag:$0x2] =	stream.indirect.gather [hbm4b:s7+s6], $0x20, s2, s6, $0xb8;
	[tilespmem:$0xC200] =	vst v63  }
0x10: {  	s10 =	simm.s32 $0x8200;
	s11 =	simm.s32 $0x1;
	s9 =	sadd.s32 $0x16E4800, s9  }
0x11: {  	[tilespmem:s10], [sflag:$0x3] =	stream.indirect.gather [hbm4b:s9+s6], $0x20, s2, s6, $0xb8;
	[tilespmem:$0xC200] =	vst v63  }
0x12: {  	_ =	swait.ge [sflag:s11], $0x4000  }
0x13: {  	s17 =	sshll.u32 s13, $0x2;
	[sflag:s11] =	ssyncset.done $0x0  }
0x14: {  	s12 =	sadd.s32 s12, s17;
	[sflag:s11] =	ssyncadd.s32 $0xFFFFC000  }
0x15: {  	[hbm4b:s12+s2] =	stream.linear.scatter [tilespmem:s6], [sflag:$0x4], $0x4000, $0x38;
	[tilespmem:$0xC200] =	vst v63  }
0x16: {  	_ =	swait.ge [sflag:s3], $0x4000  }
0x17: {  	[sflag:s3] =	ssyncset.done $0x0  }
0x18: {  	s13 =	simm.s32 $0x2;
	[sflag:s3] =	ssyncadd.s32 $0xFFFFC000  }
0x19: {  	_ =	swait.ge [sflag:s13], $0x4000  }
0x1a: {  	[sflag:s13] =	ssyncset.done $0x0  }
0x1b: {  	s18 =	ssub.s32 $0x2, s15;
	s14 =	sadd.s32 s14, s17;
	[sflag:s13] =	ssyncadd.s32 $0xFFFFC000  }
0x1c: {  	[hbm4b:s14+s2] =	stream.linear.scatter [tilespmem:s8], [sflag:$0x4], $0x4000, $0x38;
	[tilespmem:$0xC200] =	vst v63  }
0x1d: {  	s19 =	sshrl.u32 s18, $0x1;
	_ =	swait.ge [sflag:s3], $0x4000  }
0x1e: {  	s18 =	ssub.s32 s18, s19;
	[sflag:s3] =	ssyncset.done $0x0  }
0x1f: {  	s15 =	simm.s32 $0x3;
	s31 =	smax.u32 s18, $0x1;
	[sflag:s3] =	ssyncadd.s32 $0xFFFFC000  }
0x20: {  	p0 =	sne.s32 s31, $0x1;
	_ =	swait.ge [sflag:s15], $0x4000  }
.Ltmp0:
0x21: {  	[sflag:s15] =	ssyncset.done $0x0;
	(pc) =	sbr.rel @!p0 .LBB2_2-.Ltmp0, $4  }
0x22: {  	s16 =	sadd.s32 s16, s17;
	[sflag:s15] =	ssyncadd.s32 $0xFFFFC000  }
0x23: {  	[hbm4b:s16+s2] =	stream.linear.scatter [tilespmem:s10], [sflag:$0x4], $0x4000, $0x38;
	[tilespmem:$0xC200] =	vst v63  }
0x24: {  	_ =	swait.ge [sflag:s3], $0x4000  }
0x25: {  	s17 =	sadd.s32 $0xFFFFFFFF, s31;
	[sflag:s3] =	ssyncset.done $0x0  }
.LBB2_1:
0x26: {  	p0 =	sne.s32 s17, $0x1;
	s17 =	sadd.s32 $0xFFFFFFFF, s17;
	[sflag:s3] =	ssyncadd.s32 $0xFFFFC000  }
0x27: {  	[tilespmem:s2], [sflag:$0x4] =	stream.linear.gather [hbm4b:s4+s2], $0x200, $0x38;
	[tilespmem:$0xC200] =	vst v63  }
0x28: {  	_ =	swait.ge [sflag:s3], $0x200  }
0x29: {  	[sflag:s3] =	ssyncset.done $0x0  }
0x2a: {  	[sflag:s3] =	ssyncadd.s32 $0xFFFFFE00  }
0x2b: {  	[tilespmem:s6], [sflag:$0x1] =	stream.indirect.gather [hbm4b:s5+s6], $0x20, s2, s6, $0xb8;
	[tilespmem:$0xC200] =	vst v63  }
0x2c: {  	_ = 	snop  }
0x2d: {  	[tilespmem:s8], [sflag:$0x2] =	stream.indirect.gather [hbm4b:s7+s6], $0x20, s2, s6, $0xb8;
	[tilespmem:$0xC200] =	vst v63  }
0x2e: {  	_ = 	snop  }
0x2f: {  	[tilespmem:s10], [sflag:$0x3] =	stream.indirect.gather [hbm4b:s9+s6], $0x20, s2, s6, $0xb8;
	[tilespmem:$0xC200] =	vst v63  }
0x30: {  	_ =	swait.ge [sflag:s11], $0x4000  }
0x31: {  	[sflag:s11] =	ssyncset.done $0x0  }
0x32: {  	[sflag:s11] =	ssyncadd.s32 $0xFFFFC000  }
0x33: {  	[hbm4b:s12+s2] =	stream.linear.scatter [tilespmem:s6], [sflag:$0x4], $0x4000, $0x38;
	[tilespmem:$0xC200] =	vst v63  }
0x34: {  	_ =	swait.ge [sflag:s3], $0x4000  }
0x35: {  	[sflag:s3] =	ssyncset.done $0x0  }
0x36: {  	[sflag:s3] =	ssyncadd.s32 $0xFFFFC000  }
0x37: {  	_ =	swait.ge [sflag:s13], $0x4000  }
0x38: {  	[sflag:s13] =	ssyncset.done $0x0  }
0x39: {  	[sflag:s13] =	ssyncadd.s32 $0xFFFFC000  }
0x3a: {  	[hbm4b:s14+s2] =	stream.linear.scatter [tilespmem:s8], [sflag:$0x4], $0x4000, $0x38;
	[tilespmem:$0xC200] =	vst v63  }
0x3b: {  	_ =	swait.ge [sflag:s3], $0x4000  }
0x3c: {  	[sflag:s3] =	ssyncset.done $0x0  }
0x3d: {  	[sflag:s3] =	ssyncadd.s32 $0xFFFFC000  }
0x3e: {  	_ =	swait.ge [sflag:s15], $0x4000  }
.Ltmp1:
0x3f: {  	[sflag:s15] =	ssyncset.done $0x0;
	(pc) =	sbr.rel @p0 .LBB2_1-.Ltmp1, $4  }
0x40: {  	[sflag:s15] =	ssyncadd.s32 $0xFFFFC000  }
0x41: {  	[hbm4b:s16+s2] =	stream.linear.scatter [tilespmem:s10], [sflag:$0x4], $0x4000, $0x38;
	[tilespmem:$0xC200] =	vst v63  }
0x42: {  	_ =	swait.ge [sflag:s3], $0x4000  }
0x43: {  	[sflag:s3] =	ssyncset.done $0x0  }
.LBB2_2:
0x44: {  	[sflag:s3] =	ssyncadd.s32 $0xFFFFC000  }
0x45: {  	_ =	sfence.sel $0x180000  }
0x46: {  	[bflag:$0x0] =	sbarrier.arrive $0xFFFF  }
0x47: {  	p0 =	sne.s32 s0, $0x0;
	_ =	strace $0x90000047  }
0x48: {  	s0 =	sadd.s32 @!p0 $0x100000, s1;
	[bflag:$0x2] =	sbarrier.arrive $0xFFFF  }
0x49: {  	[sflag:s0] =	ssyncadd.tile.s32 @!p0 $0x1;
	_ =	shalt  }
.Lfunc_end2:
_tile_overlayer_lowered:
.L_overlay_start_2:
0x4a: {  	(tag) =	ssettag $0x2  }
0x4b: {  	s0 =	rddreg [dreg:$0x0];
	s2 =	stileid.u32  }
0x4c: {  	s1 =	rddreg [dreg:$0x1];
	p0 =	sne.s32 s2, $0x0  }
0x4d: {  	s3 =	rddreg [dreg:$0x2];
	[bflag:$0x3] =	sbarrier.arrive $0xFFFF;
	s2 =	simm.s32 @!p0 $0x1C04  }
0x4e: {  	[timem:s3], [sflag:s2] =	dma.local @!p0 [hbm:s0], s1  }
0x4f: {  	s0 =	simm.s32 @!p0 $0x4  }
0x50: {  	_ =	swait.ge @!p0 [sflag:s0], s1  }
0x51: {  	s1 =	ssub.s32 @!p0 $0x0, s1;
	[sflag:s0] =	ssyncset.done @!p0 $0x0  }
0x52: {  	[sflag:s0] =	ssyncadd.s32 @!p0 s1  }
0x53: {  	[bflag:$0x3] =	sbarrier.arrive $0xFFFF  }
0x54: {  	_ =	shalt  }

</sc_bundles>
